<compile_context>
chip_gen: v7x
topology: tpu7x:2x2x1
jax: 0.10.2.dev20260603
libtpu: 0.0.44.dev20260713+nightly
codegen_flags: <defaults>
</compile_context>

<pallas_src>
import functools

import jax
import jax.numpy as jnp
from jax import lax
from jax.experimental import pallas as pl
from jax.experimental.pallas import tpu as pltpu
from jax.experimental.pallas import tpu_sc as plsc

N, D = 262144, 256
H = D // 2
NUM_CORES = 2
NUM_SUBCORES = 16
NW = NUM_CORES * NUM_SUBCORES
ROWS_PER_W = N // NW
R = 128
CHUNKS = ROWS_PER_W // R
NBUF = 3

_mesh = plsc.VectorSubcoreMesh(core_axis_name="c", subcore_axis_name="s")


@functools.partial(
    pl.kernel,
    mesh=_mesh,
    out_type=(
        jax.ShapeDtypeStruct((N, H), jnp.float32),
        jax.ShapeDtypeStruct((N, H), jnp.float32),
    ),
    scratch_types=[
        pltpu.MemorySpace.VMEM_SHARED((NUM_SUBCORES, NBUF, R, D), jnp.float32),
        pltpu.SemaphoreType.DMA,
        pltpu.SemaphoreType.DMA,
    ],
)
def _split_halves(inp_hbm, speed_hbm, dir_hbm, shared, in_sem, out_sem):
    cid = lax.axis_index("c")
    sid = lax.axis_index("s")
    wid = sid * NUM_CORES + cid
    base = wid * ROWS_PER_W

    def rows(i):
        return pl.ds(base + i * R, R)

    def start_read(i, slot):
        pltpu.async_copy(inp_hbm.at[rows(i)], shared.at[sid, slot], in_sem)

    def wait_read(i, slot):
        pltpu.make_async_copy(inp_hbm.at[rows(i)], shared.at[sid, slot], in_sem).wait()

    def start_writes(i, slot):
        pltpu.async_copy(shared.at[sid, slot, :, pl.ds(0, H)], speed_hbm.at[rows(i)], out_sem)
        pltpu.async_copy(shared.at[sid, slot, :, pl.ds(H, H)], dir_hbm.at[rows(i)], out_sem)

    def wait_writes(i, slot):
        pltpu.make_async_copy(shared.at[sid, slot, :, pl.ds(0, H)], speed_hbm.at[rows(i)], out_sem).wait()
        pltpu.make_async_copy(shared.at[sid, slot, :, pl.ds(H, H)], dir_hbm.at[rows(i)], out_sem).wait()

    for j in range(NBUF):
        start_read(j, j)

    def body(i, _):
        slot = lax.rem(i, NBUF)

        @pl.when(i >= 1)
        def _():
            prev_slot = lax.rem(i - 1, NBUF)
            wait_writes(i - 1, prev_slot)

            @pl.when(i - 1 + NBUF < CHUNKS)
            def _():
                start_read(i - 1 + NBUF, prev_slot)

        wait_read(i, slot)
        start_writes(i, slot)
        return 0

    lax.fori_loop(0, CHUNKS, body, 0)
    wait_writes(CHUNKS - 1, lax.rem(CHUNKS - 1, NBUF))


def kernel(inputs):
    return _split_halves(inputs)

# --- scband reference (transcript-rebuilt; emitter-appended) ---
"""Pipeline reference for scband-dispatch-training-variables-63445256896731 (READ-ONLY COPY).

The authoritative reference and input builder live on the scoring server;
editing this copy changes nothing except your own understanding.
"""

import jax, jax.numpy as jnp
import numpy as np

INDICES_SPEED = jnp.asarray(list(range(0, 128)), dtype=jnp.int32)
INDICES_DIR = jnp.asarray(list(range(128, 256)), dtype=jnp.int32)


def setup_inputs(seed: int = 0) -> dict:
    key = jax.random.key(seed)
    inputs = jax.random.normal(key, (262144, 256), dtype=jnp.float32)
    return {"inputs": inputs}


def reference(inputs):
    # tf.gather(inputs, indices, axis=-1) -> jnp.take(inputs, indices, axis=-1)
    variables_speed = jnp.take(inputs, INDICES_SPEED, axis=-1)
    variables_dir = jnp.take(inputs, INDICES_DIR, axis=-1)
    return (variables_speed, variables_dir)

if __name__ == "__main__":
    import jax
    _d = setup_inputs()
    print(jax.jit(kernel)(*tuple(_d.values())))

</pallas_src>

<mosaic_0001>
#map = affine_map<(d0, d1) -> (0, 0)>
module attributes {stable_mosaic.version = 14 : i64} {
  func.func @_split_halves(%arg0: i32, %arg1: i32, %arg2: memref<262144x256xf32, #tpu.memory_space<hbm>>, %arg3: memref<262144x128xf32, #tpu.memory_space<hbm>>, %arg4: memref<262144x128xf32, #tpu.memory_space<hbm>>, %arg5: memref<16x3x128x256xf32, #tpu.memory_space<vmem_shared>>, %arg6: memref<!tpu.dma_semaphore, #tpu.memory_space<semaphore_mem>>, %arg7: memref<!tpu.dma_semaphore, #tpu.memory_space<semaphore_mem>>) attributes {dimension_semantics = [#tpu.dimension_semantics<core_parallel>, #tpu.dimension_semantics<subcore_parallel>], iteration_bounds = array<i64: 2, 16>, scalar_prefetch = 0 : i64, scratch_operands = 3 : i64, tpu.core_type = #tpu.core_type<sc_vector_subcore>, window_params = [{transform_indices = #map}, {transform_indices = #map}, {transform_indices = #map}]} {
    %mul3A = arith.constant 2 : i32
    %mul3A_0 = arith.muli %arg1, %mul3A : i32
    %add3A = arith.addi %mul3A_0, %arg0 : i32
    %mul3A_1 = arith.constant 8192 : i32
    %mul3A_2 = arith.muli %add3A, %mul3A_1 : i32
    %add3A_3 = arith.constant 0 : i32
    %add3A_4 = arith.addi %mul3A_2, %add3A_3 : i32
    %dma_start3A = arith.constant 0 : i32
    %dma_start3A_5 = arith.constant 0 : i32
    %dma_start3A_6 = arith.constant 0 : i32
    %dma_start3A_7 = tpu.memref_slice %arg5[%arg1, %dma_start3A, %dma_start3A_5, %dma_start3A_6] : memref<16x3x128x256xf32, #tpu.memory_space<vmem_shared>> -> memref<1x1x128x256xf32, #tpu.memory_space<vmem_shared>>
    %dma_start3A_8 = tpu.memref_squeeze %dma_start3A_7 : memref<1x1x128x256xf32, #tpu.memory_space<vmem_shared>> -> memref<128x256xf32, #tpu.memory_space<vmem_shared>>
    %dma_start3A_9 = arith.constant 0 : i32
    %dma_start3A_10 = tpu.memref_slice %arg2[%add3A_4, %dma_start3A_9] : memref<262144x256xf32, #tpu.memory_space<hbm>> -> memref<128x256xf32, #tpu.memory_space<hbm>>
    tpu.enqueue_dma source(%dma_start3A_10 : memref<128x256xf32, #tpu.memory_space<hbm>>) target(%dma_start3A_8 : memref<128x256xf32, #tpu.memory_space<vmem_shared>>) target_semaphore(%arg6 : memref<!tpu.dma_semaphore, #tpu.memory_space<semaphore_mem>>)
    %add3A_11 = arith.constant 128 : i32
    %add3A_12 = arith.addi %mul3A_2, %add3A_11 : i32
    %dma_start3A_13 = arith.constant 1 : i32
    %dma_start3A_14 = arith.constant 0 : i32
    %dma_start3A_15 = arith.constant 0 : i32
    %dma_start3A_16 = tpu.memref_slice %arg5[%arg1, %dma_start3A_13, %dma_start3A_14, %dma_start3A_15] : memref<16x3x128x256xf32, #tpu.memory_space<vmem_shared>> -> memref<1x1x128x256xf32, #tpu.memory_space<vmem_shared>>
    %dma_start3A_17 = tpu.memref_squeeze %dma_start3A_16 : memref<1x1x128x256xf32, #tpu.memory_space<vmem_shared>> -> memref<128x256xf32, #tpu.memory_space<vmem_shared>>
    %dma_start3A_18 = arith.constant 0 : i32
    %dma_start3A_19 = tpu.memref_slice %arg2[%add3A_12, %dma_start3A_18] : memref<262144x256xf32, #tpu.memory_space<hbm>> -> memref<128x256xf32, #tpu.memory_space<hbm>>
    tpu.enqueue_dma source(%dma_start3A_19 : memref<128x256xf32, #tpu.memory_space<hbm>>) target(%dma_start3A_17 : memref<128x256xf32, #tpu.memory_space<vmem_shared>>) target_semaphore(%arg6 : memref<!tpu.dma_semaphore, #tpu.memory_space<semaphore_mem>>)
    %add3A_20 = arith.constant 256 : i32
    %add3A_21 = arith.addi %mul3A_2, %add3A_20 : i32
    %dma_start3A_22 = arith.constant 2 : i32
    %dma_start3A_23 = arith.constant 0 : i32
    %dma_start3A_24 = arith.constant 0 : i32
    %dma_start3A_25 = tpu.memref_slice %arg5[%arg1, %dma_start3A_22, %dma_start3A_23, %dma_start3A_24] : memref<16x3x128x256xf32, #tpu.memory_space<vmem_shared>> -> memref<1x1x128x256xf32, #tpu.memory_space<vmem_shared>>
    %dma_start3A_26 = tpu.memref_squeeze %dma_start3A_25 : memref<1x1x128x256xf32, #tpu.memory_space<vmem_shared>> -> memref<128x256xf32, #tpu.memory_space<vmem_shared>>
    %dma_start3A_27 = arith.constant 0 : i32
    %dma_start3A_28 = tpu.memref_slice %arg2[%add3A_21, %dma_start3A_27] : memref<262144x256xf32, #tpu.memory_space<hbm>> -> memref<128x256xf32, #tpu.memory_space<hbm>>
    tpu.enqueue_dma source(%dma_start3A_28 : memref<128x256xf32, #tpu.memory_space<hbm>>) target(%dma_start3A_26 : memref<128x256xf32, #tpu.memory_space<vmem_shared>>) target_semaphore(%arg6 : memref<!tpu.dma_semaphore, #tpu.memory_space<semaphore_mem>>)
    %scan3A = arith.constant 0 : i32
    %scan3A_29 = arith.constant 0 : i32
    %scan3A_30 = arith.constant 64 : i32
    %scan3A_31 = arith.addi %scan3A_29, %scan3A_30 : i32
    %scan3A_32 = arith.constant 1 : i32
    %scan3A_33 = scf.for %scan3A_52 = %scan3A_29 to %scan3A_31 step %scan3A_32 iter_args(%scan3A_53 = %scan3A) -> (i32)  : i32 {
      %rem3A_54 = arith.constant 3 : i32
      %rem3A_55 = arith.remsi %scan3A_52, %rem3A_54 : i32
      %ge3A = arith.constant 1 : i32
      %ge3A_56 = arith.cmpi sge, %scan3A_52, %ge3A : i32
      %convert_element_type3A = arith.extui %ge3A_56 : i1 to i32
      %cond3A = arith.constant 0 : i32
      %cond3A_57 = arith.cmpi ne, %convert_element_type3A, %cond3A : i32
      scf.if %cond3A_57 {
        %sub3A = arith.constant 1 : i32
        %sub3A_86 = arith.subi %scan3A_52, %sub3A : i32
        %rem3A_87 = arith.constant 3 : i32
        %rem3A_88 = arith.remsi %sub3A_86, %rem3A_87 : i32
        %sub3A_89 = arith.constant 1 : i32
        %sub3A_90 = arith.subi %scan3A_52, %sub3A_89 : i32
        %mul3A_91 = arith.constant 128 : i32
        %mul3A_92 = arith.muli %sub3A_90, %mul3A_91 : i32
        %add3A_93 = arith.addi %mul3A_2, %mul3A_92 : i32
        %dma_wait3A_94 = arith.constant 0 : i32
        %dma_wait3A_95 = tpu.memref_slice %arg3[%add3A_93, %dma_wait3A_94] : memref<262144x128xf32, #tpu.memory_space<hbm>> -> memref<128x128xf32, #tpu.memory_space<hbm>>
        %dma_wait3A_96 = arith.constant 0 : i32
        %dma_wait3A_97 = arith.constant 0 : i32
        %dma_wait3A_98 = tpu.memref_slice %arg5[%arg1, %rem3A_88, %dma_wait3A_96, %dma_wait3A_97] : memref<16x3x128x256xf32, #tpu.memory_space<vmem_shared>> -> memref<1x1x128x128xf32, #tpu.memory_space<vmem_shared>>
        %dma_wait3A_99 = tpu.memref_squeeze %dma_wait3A_98 : memref<1x1x128x128xf32, #tpu.memory_space<vmem_shared>> -> memref<128x128xf32, #tpu.memory_space<vmem_shared>>
        tpu.wait_dma2 semaphore(%arg7 : memref<!tpu.dma_semaphore, #tpu.memory_space<semaphore_mem>>) src(%dma_wait3A_99 : memref<128x128xf32, #tpu.memory_space<vmem_shared>>) dst(%dma_wait3A_95 : memref<128x128xf32, #tpu.memory_space<hbm>>)
        %mul3A_100 = arith.constant 128 : i32
        %mul3A_101 = arith.muli %sub3A_90, %mul3A_100 : i32
        %add3A_102 = arith.addi %mul3A_2, %mul3A_101 : i32
        %dma_wait3A_103 = arith.constant 0 : i32
        %dma_wait3A_104 = tpu.memref_slice %arg4[%add3A_102, %dma_wait3A_103] : memref<262144x128xf32, #tpu.memory_space<hbm>> -> memref<128x128xf32, #tpu.memory_space<hbm>>
        %dma_wait3A_105 = arith.constant 0 : i32
        %dma_wait3A_106 = arith.constant 128 : i32
        %dma_wait3A_107 = tpu.memref_slice %arg5[%arg1, %rem3A_88, %dma_wait3A_105, %dma_wait3A_106] : memref<16x3x128x256xf32, #tpu.memory_space<vmem_shared>> -> memref<1x1x128x128xf32, #tpu.memory_space<vmem_shared>>
        %dma_wait3A_108 = tpu.memref_squeeze %dma_wait3A_107 : memref<1x1x128x128xf32, #tpu.memory_space<vmem_shared>> -> memref<128x128xf32, #tpu.memory_space<vmem_shared>>
        tpu.wait_dma2 semaphore(%arg7 : memref<!tpu.dma_semaphore, #tpu.memory_space<semaphore_mem>>) src(%dma_wait3A_108 : memref<128x128xf32, #tpu.memory_space<vmem_shared>>) dst(%dma_wait3A_104 : memref<128x128xf32, #tpu.memory_space<hbm>>)
        %sub3A_109 = arith.constant 1 : i32
        %sub3A_110 = arith.subi %scan3A_52, %sub3A_109 : i32
        %add3A_111 = arith.constant 3 : i32
        %add3A_112 = arith.addi %sub3A_110, %add3A_111 : i32
        %lt3A = arith.constant 64 : i32
        %lt3A_113 = arith.cmpi slt, %add3A_112, %lt3A : i32
        %convert_element_type3A_114 = arith.extui %lt3A_113 : i1 to i32
        %cond3A_115 = arith.constant 0 : i32
        %cond3A_116 = arith.cmpi ne, %convert_element_type3A_114, %cond3A_115 : i32
        scf.if %cond3A_116 {
          %sub3A_117 = arith.constant 1 : i32
          %sub3A_118 = arith.subi %scan3A_52, %sub3A_117 : i32
          %add3A_119 = arith.constant 3 : i32
          %add3A_120 = arith.addi %sub3A_118, %add3A_119 : i32
          %mul3A_121 = arith.constant 128 : i32
          %mul3A_122 = arith.muli %add3A_120, %mul3A_121 : i32
          %add3A_123 = arith.addi %mul3A_2, %mul3A_122 : i32
          %dma_start3A_124 = arith.constant 0 : i32
          %dma_start3A_125 = arith.constant 0 : i32
          %dma_start3A_126 = tpu.memref_slice %arg5[%arg1, %rem3A_88, %dma_start3A_124, %dma_start3A_125] : memref<16x3x128x256xf32, #tpu.memory_space<vmem_shared>> -> memref<1x1x128x256xf32, #tpu.memory_space<vmem_shared>>
          %dma_start3A_127 = tpu.memref_squeeze %dma_start3A_126 : memref<1x1x128x256xf32, #tpu.memory_space<vmem_shared>> -> memref<128x256xf32, #tpu.memory_space<vmem_shared>>
          %dma_start3A_128 = arith.constant 0 : i32
          %dma_start3A_129 = tpu.memref_slice %arg2[%add3A_123, %dma_start3A_128] : memref<262144x256xf32, #tpu.memory_space<hbm>> -> memref<128x256xf32, #tpu.memory_space<hbm>>
          tpu.enqueue_dma source(%dma_start3A_129 : memref<128x256xf32, #tpu.memory_space<hbm>>) target(%dma_start3A_127 : memref<128x256xf32, #tpu.memory_space<vmem_shared>>) target_semaphore(%arg6 : memref<!tpu.dma_semaphore, #tpu.memory_space<semaphore_mem>>)
        } else {
        }
      } else {
      }
      %mul3A_58 = arith.constant 128 : i32
      %mul3A_59 = arith.muli %scan3A_52, %mul3A_58 : i32
      %add3A_60 = arith.addi %mul3A_2, %mul3A_59 : i32
      %dma_wait3A_61 = arith.constant 0 : i32
      %dma_wait3A_62 = arith.constant 0 : i32
      %dma_wait3A_63 = tpu.memref_slice %arg5[%arg1, %rem3A_55, %dma_wait3A_61, %dma_wait3A_62] : memref<16x3x128x256xf32, #tpu.memory_space<vmem_shared>> -> memref<1x1x128x256xf32, #tpu.memory_space<vmem_shared>>
      %dma_wait3A_64 = tpu.memref_squeeze %dma_wait3A_63 : memref<1x1x128x256xf32, #tpu.memory_space<vmem_shared>> -> memref<128x256xf32, #tpu.memory_space<vmem_shared>>
      %dma_wait3A_65 = arith.constant 0 : i32
      %dma_wait3A_66 = tpu.memref_slice %arg2[%add3A_60, %dma_wait3A_65] : memref<262144x256xf32, #tpu.memory_space<hbm>> -> memref<128x256xf32, #tpu.memory_space<hbm>>
      tpu.wait_dma2 semaphore(%arg6 : memref<!tpu.dma_semaphore, #tpu.memory_space<semaphore_mem>>) src(%dma_wait3A_66 : memref<128x256xf32, #tpu.memory_space<hbm>>) dst(%dma_wait3A_64 : memref<128x256xf32, #tpu.memory_space<vmem_shared>>)
      %mul3A_67 = arith.constant 128 : i32
      %mul3A_68 = arith.muli %scan3A_52, %mul3A_67 : i32
      %add3A_69 = arith.addi %mul3A_2, %mul3A_68 : i32
      %dma_start3A_70 = arith.constant 0 : i32
      %dma_start3A_71 = tpu.memref_slice %arg3[%add3A_69, %dma_start3A_70] : memref<262144x128xf32, #tpu.memory_space<hbm>> -> memref<128x128xf32, #tpu.memory_space<hbm>>
      %dma_start3A_72 = arith.constant 0 : i32
      %dma_start3A_73 = arith.constant 0 : i32
      %dma_start3A_74 = tpu.memref_slice %arg5[%arg1, %rem3A_55, %dma_start3A_72, %dma_start3A_73] : memref<16x3x128x256xf32, #tpu.memory_space<vmem_shared>> -> memref<1x1x128x128xf32, #tpu.memory_space<vmem_shared>>
      %dma_start3A_75 = tpu.memref_squeeze %dma_start3A_74 : memref<1x1x128x128xf32, #tpu.memory_space<vmem_shared>> -> memref<128x128xf32, #tpu.memory_space<vmem_shared>>
      tpu.enqueue_dma source(%dma_start3A_75 : memref<128x128xf32, #tpu.memory_space<vmem_shared>>) target(%dma_start3A_71 : memref<128x128xf32, #tpu.memory_space<hbm>>) target_semaphore(%arg7 : memref<!tpu.dma_semaphore, #tpu.memory_space<semaphore_mem>>)
      %mul3A_76 = arith.constant 128 : i32
      %mul3A_77 = arith.muli %scan3A_52, %mul3A_76 : i32
      %add3A_78 = arith.addi %mul3A_2, %mul3A_77 : i32
      %dma_start3A_79 = arith.constant 0 : i32
      %dma_start3A_80 = tpu.memref_slice %arg4[%add3A_78, %dma_start3A_79] : memref<262144x128xf32, #tpu.memory_space<hbm>> -> memref<128x128xf32, #tpu.memory_space<hbm>>
      %dma_start3A_81 = arith.constant 0 : i32
      %dma_start3A_82 = arith.constant 128 : i32
      %dma_start3A_83 = tpu.memref_slice %arg5[%arg1, %rem3A_55, %dma_start3A_81, %dma_start3A_82] : memref<16x3x128x256xf32, #tpu.memory_space<vmem_shared>> -> memref<1x1x128x128xf32, #tpu.memory_space<vmem_shared>>
      %dma_start3A_84 = tpu.memref_squeeze %dma_start3A_83 : memref<1x1x128x128xf32, #tpu.memory_space<vmem_shared>> -> memref<128x128xf32, #tpu.memory_space<vmem_shared>>
      tpu.enqueue_dma source(%dma_start3A_84 : memref<128x128xf32, #tpu.memory_space<vmem_shared>>) target(%dma_start3A_80 : memref<128x128xf32, #tpu.memory_space<hbm>>) target_semaphore(%arg7 : memref<!tpu.dma_semaphore, #tpu.memory_space<semaphore_mem>>)
      %scan3A_85 = arith.constant 0 : i32
      scf.yield %scan3A_85 : i32
    }
    %scan3A_34 = arith.constant 64 : i32
    %rem3A = arith.constant 63 : i32
    %rem3A_35 = arith.constant 3 : i32
    %rem3A_36 = arith.remsi %rem3A, %rem3A_35 : i32
    %add3A_37 = arith.constant 8064 : i32
    %add3A_38 = arith.addi %mul3A_2, %add3A_37 : i32
    %dma_wait3A = arith.constant 0 : i32
    %dma_wait3A_39 = tpu.memref_slice %arg3[%add3A_38, %dma_wait3A] : memref<262144x128xf32, #tpu.memory_space<hbm>> -> memref<128x128xf32, #tpu.memory_space<hbm>>
    %dma_wait3A_40 = arith.constant 0 : i32
    %dma_wait3A_41 = arith.constant 0 : i32
    %dma_wait3A_42 = tpu.memref_slice %arg5[%arg1, %rem3A_36, %dma_wait3A_40, %dma_wait3A_41] : memref<16x3x128x256xf32, #tpu.memory_space<vmem_shared>> -> memref<1x1x128x128xf32, #tpu.memory_space<vmem_shared>>
    %dma_wait3A_43 = tpu.memref_squeeze %dma_wait3A_42 : memref<1x1x128x128xf32, #tpu.memory_space<vmem_shared>> -> memref<128x128xf32, #tpu.memory_space<vmem_shared>>
    tpu.wait_dma2 semaphore(%arg7 : memref<!tpu.dma_semaphore, #tpu.memory_space<semaphore_mem>>) src(%dma_wait3A_43 : memref<128x128xf32, #tpu.memory_space<vmem_shared>>) dst(%dma_wait3A_39 : memref<128x128xf32, #tpu.memory_space<hbm>>)
    %add3A_44 = arith.constant 8064 : i32
    %add3A_45 = arith.addi %mul3A_2, %add3A_44 : i32
    %dma_wait3A_46 = arith.constant 0 : i32
    %dma_wait3A_47 = tpu.memref_slice %arg4[%add3A_45, %dma_wait3A_46] : memref<262144x128xf32, #tpu.memory_space<hbm>> -> memref<128x128xf32, #tpu.memory_space<hbm>>
    %dma_wait3A_48 = arith.constant 0 : i32
    %dma_wait3A_49 = arith.constant 128 : i32
    %dma_wait3A_50 = tpu.memref_slice %arg5[%arg1, %rem3A_36, %dma_wait3A_48, %dma_wait3A_49] : memref<16x3x128x256xf32, #tpu.memory_space<vmem_shared>> -> memref<1x1x128x128xf32, #tpu.memory_space<vmem_shared>>
    %dma_wait3A_51 = tpu.memref_squeeze %dma_wait3A_50 : memref<1x1x128x128xf32, #tpu.memory_space<vmem_shared>> -> memref<128x128xf32, #tpu.memory_space<vmem_shared>>
    tpu.wait_dma2 semaphore(%arg7 : memref<!tpu.dma_semaphore, #tpu.memory_space<semaphore_mem>>) src(%dma_wait3A_51 : memref<128x128xf32, #tpu.memory_space<vmem_shared>>) dst(%dma_wait3A_47 : memref<128x128xf32, #tpu.memory_space<hbm>>)
    return
  }
}

</mosaic_0001>

<sc_bundles>
// kernel: kernel.3.cloned.1.call-start
scs
__scs_entry_jumppad:
0x0: {  	(pc) =	sbr.rel $0x88, $3  }
0x1: {  	(tag) =	ssettag $0x0;
	lr =	simm.s32 $0x1  }
0x2: {  	[smem:$0x3FA0] =	sst lr;
	_ =	strace $0xD0000000  }
0x3: {  	_ = 	snop  }
0x4: {  	_ = 	snop  }
0x5: {  	_ = 	snop  }
0x6: {  	_ = 	snop  }
0x7: {  	_ = 	snop  }
__scs_overlays_trampoline_lowered:
0x8: {  	[smem:$0x3FAF] =	sst s0  }
0x9: {  	[smem:$0x3FB0] =	sst s1  }
0xa: {  	[smem:$0x3FB1] =	sst s2  }
0xb: {  	[smem:$0x3FB2] =	sst s3  }
0xc: {  	[smem:$0x3FB3] =	sst s4  }
0xd: {  	[smem:$0x3FB4] =	sst s5  }
0xe: {  	[smem:$0x3FB5] =	sst s6  }
0xf: {  	[smem:$0x3FB6] =	sst s7  }
0x10: {  	[smem:$0x3FB7] =	sst s8  }
0x11: {  	[smem:$0x3FB8] =	sst s9;
	s0 =	simm.s32 @!p0 $0x0  }
0x12: {  	s1 =	sld [smem:$0x3F9E];
	s0 =	simm.s32 @p0 $0x1  }
0x13: {  	[smem:$0x3FB9] =	sst s0;
	s0 =	simm.s32 @!p1 $0x0  }
0x14: {  	s2 =	sld [smem:$0x3F9D];
	s0 =	simm.s32 @p1 $0x1  }
0x15: {  	[smem:$0x3FBA] =	sst s0;
	s0 =	simm.s32 @!p2 $0x0  }
0x16: {  	s3 =	sld [smem:$0x3FDB];
	s0 =	simm.s32 @p2 $0x1  }
0x17: {  	s4 =	simm.s32 $0x1BF5;
	[smem:$0x3FBC] =	sst s0  }
0x18: {  	s0 =	sld [smem:$0x3F9F];
	_ =	swait.ge [sflag:s4], $0x0  }
0x19: {  	s7 =	sld [smem:$0x3FA0]  }
0x1a: {  	s8 =	sadd.s32 $0xFFFFE003, lr  }
0x1b: {  	s9 =	sadd.s32 $0xFFFFFEF7, lr;
	s5 =	simm.s32 $0xFFFFFFFF;
	p2 =	slt.u32 s8, $0xFFFFF086  }
0x1c: {  	p1 =	slt.u32 s9, $0xF7A;
	s5 =	simm.s32 @!p2 $0x0  }
0x1d: {  	s5 =	simm.s32 @p1 $0x1;
	p0 =	seq.s32 s7, s2  }
0x1e: {  	s7 =	smul.u32 @!p0 $0xF7A, s2;
	p2 =	seq.s32 @!p0 s5, $0x0  }
0x1f: {  	s9 =	smul.u32 $0xF7A, s1;
	s8 =	simm.s32 @!p0 $0x1BF5;
	p2 =	por !p2, p0  }
0x20: {  	[sflag:s8] =	ssyncset.s32 @!p0 $0xFFFFF086;
	s6 =	sadd.s32 @!p0 s3, s7;
	s7 =	simm.s32 @!p0 $0x108  }
0x21: {  	s3 =	sadd.s32 s3, s9;
	s6 =	sadd.s32 @!p0 $0x88, s6;
	s7 =	simm.s32 @p2 $0x1082  }
0x22: {  	[simem:s7], [sflag:s8] =	dma.local @!p0 [hbm:s6], $0xF7A  }
0x23: {  	s9 =	sor.u32 $0xD0000000, s2;
	s6 =	simm.s32 $0x108;
	_ =	swait.ge @!p0 [sflag:s8], $0x0  }
0x24: {  	s3 =	sadd.s32 $0x88, s3;
	s6 =	simm.s32 @!p1 $0x1082;
	[sflag:s4] =	ssyncset.s32 $0xFFFFF086  }
0x25: {  	[simem:s6], [sflag:s4] =	dma.local [hbm:s3], $0xF7A  }
0x26: {  	[smem:$0x3FA0] =	sst s1;
	(tag) =	ssettag s2;
	_ =	strace s9  }
0x27: {  	s1 =	sld [smem:$0x3FB0]  }
0x28: {  	s2 =	sld [smem:$0x3FB1]  }
0x29: {  	s4 =	sld [smem:$0x3FB3]  }
0x2a: {  	p0 =	seq.s32 s5, $0x0;
	s5 =	sld [smem:$0x3FB4]  }
0x2b: {  	s6 =	sld [smem:$0x3FB5]  }
0x2c: {  	s7 =	sld [smem:$0x3FB6]  }
0x2d: {  	s3 =	simm.s32 $0x108;
	s8 =	sld [smem:$0x3FB7]  }
0x2e: {  	s3 =	simm.s32 @!p0 $0x1082;
	s9 =	sld [smem:$0x3FB8]  }
0x2f: {  	lr =	sadd.s32 s0, s3;
	s0 =	sld [smem:$0x3FAF]  }
0x30: {  	s3 =	sld [smem:$0x3FB2]  }
0x31: {  	[smem:$0x3FBB] =	sst s10  }
0x32: {  	s10 =	sld [smem:$0x3FB9];
	_ =	sdelay $0x3  }
0x33: {  	p0 =	seq.s32 s10, $0x1;
	s10 =	sld [smem:$0x3FBB];
	_ =	sdelay $0x3  }
0x34: {  	[smem:$0x3FBB] =	sst s10  }
0x35: {  	s10 =	sld [smem:$0x3FBA];
	_ =	sdelay $0x3  }
0x36: {  	p1 =	seq.s32 s10, $0x1;
	s10 =	sld [smem:$0x3FBB];
	_ =	sdelay $0x3  }
0x37: {  	[smem:$0x3FBB] =	sst s10  }
0x38: {  	s10 =	sld [smem:$0x3FBC]  }
0x39: {  	_ = 	snop;
	(pc) =	sbr.ind lr, $3  }
0x3a: {  	_ = 	snop  }
0x3b: {  	_ = 	snop  }
0x3c: {  	p2 =	seq.s32 s10, $0x1;
	s10 =	sld [smem:$0x3FBB]  }
0x3d: {  	_ =	shalt  }
0x3e: {  	_ =	shalt  }
0x3f: {  	_ =	shalt  }
0x40: {  	_ =	shalt  }
0x41: {  	_ =	shalt  }
0x42: {  	_ =	shalt  }
0x43: {  	_ =	shalt  }
0x44: {  	_ =	shalt  }
0x45: {  	_ =	shalt  }
0x46: {  	_ =	shalt  }
0x47: {  	_ =	shalt  }
0x48: {  	_ =	shalt  }
0x49: {  	_ =	shalt  }
0x4a: {  	_ =	shalt  }
0x4b: {  	_ =	shalt  }
0x4c: {  	_ =	shalt  }
0x4d: {  	_ =	shalt  }
0x4e: {  	_ =	shalt  }
0x4f: {  	_ =	shalt  }
0x50: {  	_ =	shalt  }
0x51: {  	_ =	shalt  }
0x52: {  	_ =	shalt  }
0x53: {  	_ =	shalt  }
0x54: {  	_ =	shalt  }
0x55: {  	_ =	shalt  }
0x56: {  	_ =	shalt  }
0x57: {  	_ =	shalt  }
0x58: {  	_ =	shalt  }
0x59: {  	_ =	shalt  }
0x5a: {  	_ =	shalt  }
0x5b: {  	_ =	shalt  }
0x5c: {  	_ =	shalt  }
0x5d: {  	_ =	shalt  }
0x5e: {  	_ =	shalt  }
0x5f: {  	_ =	shalt  }
0x60: {  	_ =	shalt  }
0x61: {  	_ =	shalt  }
0x62: {  	_ =	shalt  }
0x63: {  	_ =	shalt  }
0x64: {  	_ =	shalt  }
0x65: {  	_ =	shalt  }
0x66: {  	_ =	shalt  }
0x67: {  	_ =	shalt  }
0x68: {  	_ =	shalt  }
0x69: {  	_ =	shalt  }
0x6a: {  	_ =	shalt  }
0x6b: {  	_ =	shalt  }
0x6c: {  	_ =	shalt  }
0x6d: {  	_ =	shalt  }
0x6e: {  	_ =	shalt  }
0x6f: {  	_ =	shalt  }
0x70: {  	_ =	shalt  }
0x71: {  	_ =	shalt  }
0x72: {  	_ =	shalt  }
0x73: {  	_ =	shalt  }
0x74: {  	_ =	shalt  }
0x75: {  	_ =	shalt  }
0x76: {  	_ =	shalt  }
0x77: {  	_ =	shalt  }
0x78: {  	_ =	shalt  }
0x79: {  	_ =	shalt  }
0x7a: {  	_ =	shalt  }
0x7b: {  	_ =	shalt  }
0x7c: {  	_ =	shalt  }
0x7d: {  	_ =	shalt  }
0x7e: {  	_ =	shalt  }
0x7f: {  	_ =	shalt  }
0x80: {  	_ =	shalt  }
0x81: {  	_ =	shalt  }
0x82: {  	_ =	shalt  }
0x83: {  	_ =	shalt  }
0x84: {  	_ =	shalt  }
0x85: {  	_ =	shalt  }
0x86: {  	_ =	shalt  }
0x87: {  	_ =	shalt  }
.Lfunc_end0:
.L_simem_size_0:
called_computation_lowered:
.L_overlay_start_0:
0x88: {  	s2 =	sld [smem:$0x3FD9]  }
0x89: {  	s3 =	sld [smem:$0x3FFE];
	_ =	sdelay $0x1  }
0x8a: {  	s1 =	srdreg.scid  }
0x8b: {  	s0 =	sand.u32 $0x1, s1  }
0x8c: {  	s15 =	sshll.u32 s0, $0xA;
	s2 =	sadd.s32 s3, s2  }
0x8d: {  	s2 =	sadd.s32 s2, s15  }
0x8e: {  	[smem:$0x3FC7] =	sst s2  }
0x8f: {  	_ = 	snop  }
0x90: {  	s2 =	sld [smem:$0x3FD0];
	_ =	sdelay $0x2  }
0x91: {  	s4 =	simm.s32 $0xA;
	s5 =	simm.s32 $0x10;
	s16 =	sld [smem:$0x3FC9]  }
0x92: {  	[smem:s5], [sflag:s4] =	dma.local [hbm:s2], $0x1  }
0x93: {  	_ =	swait.eq [sflag:s4], $0x1  }
0x94: {  	[sflag:s4] =	ssyncset.done $0x0  }
0x95: {  	s17 =	sld [smem:$0x10];
	[sflag:s4] =	ssyncadd.s32 $0xFFFFFFFF  }
0x96: {  	s18 =	sld [smem:$0x11];
	(tm) =	ssettm $0x1  }
0x97: {  	s19 =	sld [smem:$0x3FFB];
	_ =	sdelay $0x3  }
0x98: {  	_ =	strace s19  }
0x99: {  	s5 =	sld [smem:$0x3FFC];
	_ =	sdelay $0x3  }
0x9a: {  	_ =	strace s5  }
0x9b: {  	s5 =	sld [smem:$0x3FFD];
	_ =	sdelay $0x3  }
0x9c: {  	_ =	strace s5  }
0x9d: {  	_ =	strace $0x8FFFFFFF  }
0x9e: {  	s20 =	sld [smem:$0x3FDB];
	_ =	sdelay $0x1  }
0x9f: {  	s6 =	simm.s32 $_scs_section_size  }
0xa0: {  	s7 =	simm.s32 $_size__tile_overlayer_lowered;
	s8 =	simm.s32 $_tile_overlayer_lowered  }
0xa1: {  	s23 =	simm.s32 $0x1BFF;
	s22 =	sshll.u32 s8, $0x1;
	s5 =	sadd.s32 s6, s20  }
0xa2: {  	s9 =	simm.s32 $0x0;
	s21 =	sshll.u32 s7, $0x1;
	s7 =	sadd.s32 s22, s5  }
0xa3: {  	[timem:s9], [sflag:s23] =	dma.local [hbm:s7], s21  }
0xa4: {  	_ =	swait.ge [sflag:s23], s21  }
0xa5: {  	s6 =	ssub.s32 $0x0, s21;
	[sflag:s23] =	ssyncset.done $0x0  }
0xa6: {  	[sflag:s23] =	ssyncadd.s32 s6;
	_ =	sdelay $0x1  }
0xa7: {  	s24 =	simm.s32 $0x1B8B  }
0xa8: {  	_ =	swait.ge [sflag:s24], $0x1  }
0xa9: {  	[sflag:s24] =	ssyncset.done $0x0  }
0xaa: {  	s25 =	simm.s32 $0x1B8E;
	[sflag:s24] =	ssyncadd.s32 $0xFFFFFFFF  }
0xab: {  	s26 =	simm.s32 $execute0_lowered;
	[smem:$0x3FD2] =	sst s25  }
0xac: {  	s6 =	sshll.u32 s26, $0x1;
	_ =	strace $0x80000046;
	[dreg:$0x1] =	wrdreg $0xFFFFFFFF  }
0xad: {  	s28 =	simm.s32 $_size_execute0_lowered;
	s5 =	sadd.s32 s5, s6;
	[dreg:$0x0] =	wrdreg $0x0  }
0xae: {  	s6 =	sshll.u32 s28, $0x1;
	[dreg:$0x2] =	wrdreg s5  }
0xaf: {  	[dreg:$0x3] =	wrdreg s6  }
0xb0: {  	[dreg:$0x4] =	wrdreg $0xC0  }
0xb1: {  	_ =	task [dreg:s9], $0x5FFFF  }
0xb2: {  	[dreg:$0x1] =	wrdreg $0xFFFFFFFF  }
0xb3: {  	[dreg:$0x0] =	wrdreg $0x60  }
0xb4: {  	[dreg:$0x2] =	wrdreg s16  }
0xb5: {  	[dreg:$0x3] =	wrdreg s17  }
0xb6: {  	[dreg:$0x4] =	wrdreg s18  }
0xb7: {  	[dreg:$0x5] =	wrdreg $0x0  }
0xb8: {  	[dreg:$0x6] =	wrdreg $0x9  }
0xb9: {  	_ =	task.clear_ibuf [dreg:s9], $0x7FFFF;
	_ =	strace $0x90000046  }
0xba: {  	s29 =	simm.s32 $0x9;
	_ =	strace $0x80000048  }
0xbb: {  	_ =	swait.ge [sflag:s29], $0x1  }
0xbc: {  	[sflag:s29] =	ssyncadd.s32 $0xFFFFFFFF  }
0xbd: {  	_ =	strace $0x90000048  }
0xbe: {  	_ =	sfence  }
0xbf: {  	s30 =	sld [smem:$0x0];
	_ =	sdelay $0x2  }
0xc0: {  	s31 =	sshll.u32 s1, $0xD;
	s1 =	sshrl.u32 s1, $0x2  }
0xc1: {  	s3 =	sand.u32 $0x4000, s31;
	s1 =	sadd.s32 s1, s30  }
0xc2: {  	s0 =	sor.u32 s3, s0;
	s1 =	sshll.u32 s1, $0x11  }
0xc3: {  	s0 =	sor.u32 s1, s0  }
0xc4: {  	s0 =	sadd.s32 $0x8F2B, s0  }
0xc5: {  	[sflag:s0] =	ssyncadd.remote.s32 $0x1  }
0xc6: {  	_ =	sfence.sel $0xFFFF  }
0xc7: {  	[dreg:$0x0] =	wrdreg $0xFFFFFFFF;
	(pc) =	sbr.abs _section_cstart, $3  }
0xc8: {  	[dreg:$0x1] =	wrdreg $0xFFFFFFFF  }
0xc9: {  	_ =	task.clear_ibuf [dreg:s9], $0x2FFFF;
	_ =	strace $0x9FFFFFFF  }
0xca: {  	(tm) =	ssettm $0x7FFFFFFF  }
0xcb: {  	_ =	shalt  }
tec
execute0_lowered:
.L_overlay_start_1:
0x0: {  	(tag) =	ssettag $0x1  }
0x1: {  	s9 =	rddreg [dreg:$0x0]  }
0x2: {  	s10 =	rddreg [dreg:$0x1]  }
0x3: {  	s11 =	rddreg [dreg:$0x2]  }
0x4: {  	s3 =	rddreg [dreg:$0x3];
	s2 =	simm.s32 $0x0;
	s4 =	srdreg.scid  }
0x5: {  	s0 =	stileid.u32;
	s19 =	simm.s32 $0x0;
	[smem:$0x7FF] =	sst s2  }
0x6: {  	s12 =	sand.u32 $0x1, s4;
	s5 =	smul.u32 $0x60000, s0;
	s13 =	sshll.u32 s0, $0x13  }
0x7: {  	s15 =	sshll.u32 s0, $0x6;
	s18 =	sshll.u32 s0, $0x12;
	_ =	strace $0x80000047  }
0x8: {  	s4 =	ssub.s32 $0x2, s12;
	s14 =	sshll.u32 s12, $0x12;
	s11 =	sadd.s32 s18, s11  }
0x9: {  	s12 =	sshll.u32 s12, $0x11;
	s10 =	sadd.s32 s18, s10;
	s18 =	simm.s32 $0x2  }
0xa: {  	s6 =	sshrl.u32 s4, $0x1;
	s30 =	sshrl.u32 s5, $0x2;
	s31 =	sor.u32 s14, s13  }
0xb: {  	s5 =	sor.u32 $0x1C01, s15;
	s11 =	sadd.s32 s12, s11;
	s10 =	sadd.s32 s12, s10  }
0xc: {  	s8 =	ssub.s32 s4, s6;
	s3 =	sadd.s32 s30, s3;
	[dreg:$0x6] =	wrdreg s11  }
0xd: {  	s4 =	sadd.s32 s9, s31;
	s9 =	sadd.s32 s13, s9;
	[dreg:$0x5] =	wrdreg s10  }
0xe: {  	s13 =	simm.s32 $0x1;
	s16 =	sadd.s32 $0x8000, s3;
	s6 =	sadd.s32 $0x1000, s4  }
0xf: {  	s17 =	sadd.s32 $0x10000, s3;
	s7 =	sadd.s32 $0x2000, s4;
	s8 =	smax.u32 s8, $0x1  }
0x10: {  	s9 =	sadd.s32 s14, s9;
	s10 =	sshrl.u32 s3, $0x3;
	s14 =	sor.u32 $0x1C02, s15  }
0x11: {  	s15 =	simm.s32 $0x8;
	s9 =	sadd.s32 $0x2000, s9;
	s11 =	sshrl.u32 s16, $0x3  }
0x12: {  	s12 =	sshrl.u32 s17, $0x3;
	s16 =	simm.s32 $0x80;
	s17 =	simm.s32 $0x100  }
.LBB2_1:
0x13: {  	[spmem:s10], [sflag:s5] =	dma.local [hbm:s4], $0x1000  }
0x14: {  	p0 =	por $0x1, $0x1  }
0x15: {  	[spmem:s11], [sflag:s5] =	dma.local [hbm:s6], $0x1000  }
0x16: {  	p1 =	por @!p0 $0x0, $0x0  }
0x17: {  	[spmem:s12], [sflag:s5] =	dma.local [hbm:s7], $0x1000  }
0x18: {  	p1 =	por p1, p0  }
0x19: {  	s23 =	smul.u32 $0xAB, s2;
	p2 =	por p0, p0;
	s20 =	simm.s32 @!p1 $0xFFFFFFFF  }
0x1a: {  	s24 =	simm.s32 @!p2 $0x2;
	s20 =	sand.u32 @!p1 $0xFF, s20  }
0x1b: {  	s23 =	sshrl.u32 s23, $0x9;
	p0 =	por $0x0, $0x0;
	s20 =	smul.u32 @!p1 $0xAB, s20  }
0x1c: {  	_ =	swait.ge @!p2 [sflag:s24], $0x800;
	s23 =	sand.u32 $0x7F, s23;
	p1 =	por p1, p1  }
0x1d: {  	p3 =	por @!p0 $0x0, $0x0;
	s23 =	smul.u32 $0x3, s23;
	s20 =	sshrl.u32 @!p1 s20, $0x9  }
0x1e: {  	[sflag:s24] =	ssyncset.done @!p2 $0x0;
	p4 =	por p3, p0;
	s21 =	smul.u32 @!p1 $0x3, s20  }
0x1f: {  	s22 =	simm.s32 $0x1000;
	[sflag:s24] =	ssyncadd.s32 @!p2 $0xFFFFF800;
	s25 =	simm.s32 @!p4 $0x0  }
0x20: {  	_ =	swait.ge @!p2 [sflag:s24], $0x800;
	s23 =	ssub.s32 $0x0, s23;
	s21 =	ssub.s32 @!p1 $0xFFFFFFFF, s21  }
0x21: {  	[sflag:s24] =	ssyncset.done @!p2 $0x0;
	s23 =	sand.u32 $0xFF, s23;
	s21 =	sand.u32 @!p1 $0xFF, s21  }
0x22: {  	s20 =	simm.s32 $0x800;
	[sflag:s24] =	ssyncadd.s32 @!p2 $0xFFFFF800;
	s21 =	sshll.u32 @!p1 s21, $0xF  }
0x23: {  	s23 =	sshll.u32 s23, $0xF;
	s24 =	sand.u32 @!p4 $0xFF, s25;
	s21 =	sadd.s32 @!p1 s21, s3  }
0x24: {  	s26 =	sadd.s32 s23, s3;
	s28 =	smul.u32 @!p4 $0xAB, s24;
	s21 =	sshrl.u32 @!p1 s21, $0x3  }
0x25: {  	[spmem:s21], [sflag:s5] =	dma.local @!p1 [hbm:s9], $0x1000  }
0x26: {  	s23 =	smov.u32 s9;
	s24 =	simm.s32 $0x0;
	_ =	swait.ge [sflag:s13], $0x1000  }
0x27: {  	s21 =	simm.s32 $0x1;
	[sflag:s13] =	ssyncset.done $0x0;
	s29 =	rddreg [dreg:$0x5]  }
.LBB2_2:
0x28: {  	s30 =	sadd.s32 $0x400, s26;
	s23 =	sadd.s32 $0x1000, s23  }
0x29: {  	s31 =	smov.u32 s22;
	s22 =	sadd.s32 $0x800, s22;
	s0 =	smov.u32 s21  }
0x2a: {  	p3 =	por p0, p0;
	p2 =	por p4, p4;
	[sflag:s13] =	ssyncadd.s32 $0xFFFFF000  }
0x2b: {  	s29 =	sadd.s32 s24, s29;
	s1 =	sshrl.u32 s26, $0x3;
	s28 =	sshrl.u32 @!p2 s28, $0x9  }
0x2c: {  	[hbm:s29@s16], [sflag:s14] =	dma.strided [spmem:s1@s17], $0x800, s15, $0x10   }
0x2d: {  	s29 =	sshrl.u32 s30, $0x3;
	s28 =	smul.u32 @!p2 $0x3, s28;
	s26 =	rddreg [dreg:$0x6]  }
0x2e: {  	s30 =	simm.s32 @!p3 $0x2;
	s26 =	sadd.s32 s24, s26;
	s24 =	smov.u32 s20  }
0x2f: {  	s20 =	smov.u32 s31;
	s25 =	ssub.s32 @!p2 s25, s28;
	s28 =	smul.u32 $0xAB, s21  }
0x30: {  	[hbm:s26@s16], [sflag:s14] =	dma.strided [spmem:s29@s17], $0x800, s15, $0x10   }
0x31: {  	p0 =	seq.s32 s20, $0x0;
	s21 =	sadd.s32 $0x1, s21;
	s25 =	sand.u32 @!p2 $0xFF, s25  }
0x32: {  	_ =	swait.ge @!p3 [sflag:s30], $0x800;
	s25 =	sshll.u32 @!p2 s25, $0xF;
	s28 =	sshrl.u32 s28, $0x9  }
0x33: {  	[sflag:s30] =	ssyncset.done @!p3 $0x0;
	s25 =	sadd.s32 @!p2 s25, s3;
	s26 =	sand.u32 $0x7F, s28  }
0x34: {  	[sflag:s30] =	ssyncadd.s32 @!p3 $0xFFFFF800;
	s1 =	sshrl.u32 @!p2 s25, $0x3;
	s25 =	smul.u32 $0x3, s26  }
0x35: {  	p1 =	sne.s32 s22, $0x20000;
	p4 =	sgt.u32 @!p0 s21, $0x3D;
	_ =	swait.ge @!p3 [sflag:s30], $0x800  }
0x36: {  	p4 =	por p4, p0;
	[sflag:s30] =	ssyncset.done @!p3 $0x0;
	s0 =	ssub.s32 s0, s25  }
.Ltmp0:
0x37: {  	s25 =	sadd.s32 @!p4 $0xFFFFFFFF, s21;
	[sflag:s30] =	ssyncadd.s32 @!p3 $0xFFFFF800;
	(pc) =	sbr.rel @p1 .LBB2_2-.Ltmp0, $4  }
0x38: {  	[spmem:s1], [sflag:s5] =	dma.local @!p2 [hbm:s23], $0x1000  }
0x39: {  	s0 =	sand.u32 $0xFF, s0;
	s1 =	sand.u32 @!p4 $0xFF, s25  }
0x3a: {  	s0 =	sshll.u32 s0, $0xF;
	_ =	swait.ge [sflag:s13], $0x1000;
	s28 =	smul.u32 @!p4 $0xAB, s1  }
0x3b: {  	s26 =	sadd.s32 s0, s3;
	[sflag:s13] =	ssyncset.done $0x0;
	s29 =	rddreg [dreg:$0x5]  }
0x3c: {  	[sflag:s13] =	ssyncadd.s32 $0xFFFFF000  }
0x3d: {  	s0 =	sadd.s32 s24, s29;
	s1 =	sshrl.u32 s26, $0x3;
	p1 =	por p4, p4  }
0x3e: {  	[hbm:s0@s16], [sflag:s14] =	dma.strided [spmem:s1@s17], $0x800, s15, $0x10   }
0x3f: {  	s22 =	sadd.s32 $0x400, s26;
	p0 =	por p0, p0;
	s1 =	sshrl.u32 @!p1 s28, $0x9  }
0x40: {  	s22 =	sshrl.u32 s22, $0x3;
	s28 =	smul.u32 $0xAB, s21;
	s0 =	rddreg [dreg:$0x6]  }
0x41: {  	s26 =	simm.s32 @!p0 $0x2;
	s1 =	smul.u32 @!p1 $0x3, s1;
	s0 =	sadd.s32 s24, s0  }
0x42: {  	[hbm:s0@s16], [sflag:s14] =	dma.strided [spmem:s22@s17], $0x800, s15, $0x10   }
0x43: {  	_ =	swait.ge @!p0 [sflag:s26], $0x800  }
0x44: {  	s0 =	ssub.s32 @!p1 s25, s1;
	s1 =	sshrl.u32 s28, $0x9;
	[sflag:s26] =	ssyncset.done @!p0 $0x0  }
0x45: {  	s0 =	sand.u32 @!p1 $0xFF, s0;
	s1 =	sand.u32 $0x7F, s1;
	[sflag:s26] =	ssyncadd.s32 @!p0 $0xFFFFF800  }
0x46: {  	s0 =	sshll.u32 @!p1 s0, $0xF;
	s1 =	smul.u32 $0x3, s1;
	_ =	swait.ge @!p0 [sflag:s26], $0x800  }
0x47: {  	s22 =	sadd.s32 $0x1000, s23;
	s0 =	sadd.s32 @!p1 s0, s3;
	[sflag:s26] =	ssyncset.done @!p0 $0x0  }
0x48: {  	s0 =	sshrl.u32 @!p1 s0, $0x3;
	s29 =	ssub.s32 s21, s1;
	[sflag:s26] =	ssyncadd.s32 @!p0 $0xFFFFF800  }
0x49: {  	[spmem:s0], [sflag:s5] =	dma.local @!p1 [hbm:s22], $0x1000  }
0x4a: {  	s0 =	sand.u32 $0xFF, s29  }
0x4b: {  	_ =	swait.ge [sflag:s13], $0x1000;
	s0 =	sshll.u32 s0, $0xF  }
0x4c: {  	s30 =	rddreg [dreg:$0x5];
	s0 =	sadd.s32 s0, s3;
	[sflag:s13] =	ssyncset.done $0x0  }
0x4d: {  	[sflag:s13] =	ssyncadd.s32 $0xFFFFF000;
	s1 =	sadd.s32 s20, s30;
	s31 =	sshrl.u32 s0, $0x3  }
0x4e: {  	[hbm:s1@s16], [sflag:s14] =	dma.strided [spmem:s31@s17], $0x800, s15, $0x10   }
0x4f: {  	s0 =	sadd.s32 $0x400, s0;
	s1 =	rddreg [dreg:$0x6]  }
0x50: {  	s19 =	sadd.s32 $0x1, s19;
	s0 =	sshrl.u32 s0, $0x3;
	s1 =	sadd.s32 s20, s1  }
0x51: {  	[hbm:s1@s16], [sflag:s14] =	dma.strided [spmem:s0@s17], $0x800, s15, $0x10   }
0x52: {  	p0 =	sne.s32 s19, s8;
	_ =	swait.ge [sflag:s18], $0x800  }
.Ltmp1:
0x53: {  	[sflag:s18] =	ssyncset.done $0x0;
	(pc) =	sbr.rel @p0 .LBB2_1-.Ltmp1, $4  }
0x54: {  	[sflag:s18] =	ssyncadd.s32 $0xFFFFF800  }
0x55: {  	_ =	swait.ge [sflag:s18], $0x800  }
0x56: {  	[sflag:s18] =	ssyncset.done $0x0  }
0x57: {  	[sflag:s18] =	ssyncadd.s32 $0xFFFFF800  }
0x58: {  	_ =	sfence.sel $0x180000  }
0x59: {  	[bflag:$0x0] =	sbarrier.arrive $0xFFFF  }
0x5a: {  	_ =	strace $0x90000047  }
0x5b: {  	s0 =	stileid.u32;
	[bflag:$0x2] =	sbarrier.arrive $0xFFFF  }
0x5c: {  	p0 =	sne.s32 s0, $0x0;
	s0 =	rddreg [dreg:$0x4]  }
0x5d: {  	s0 =	sadd.s32 @!p0 $0x100000, s0  }
0x5e: {  	[sflag:s0] =	ssyncadd.tile.s32 @!p0 $0x1;
	_ =	shalt  }
.Lfunc_end2:
_tile_overlayer_lowered:
.L_overlay_start_2:
0x5f: {  	(tag) =	ssettag $0x2  }
0x60: {  	s0 =	rddreg [dreg:$0x0];
	s2 =	stileid.u32  }
0x61: {  	s1 =	rddreg [dreg:$0x1];
	p0 =	sne.s32 s2, $0x0  }
0x62: {  	s3 =	rddreg [dreg:$0x2];
	[bflag:$0x3] =	sbarrier.arrive $0xFFFF;
	s2 =	simm.s32 @!p0 $0x1C03  }
0x63: {  	[timem:s3], [sflag:s2] =	dma.local @!p0 [hbm:s0], s1  }
0x64: {  	s0 =	simm.s32 @!p0 $0x3  }
0x65: {  	_ =	swait.ge @!p0 [sflag:s0], s1  }
0x66: {  	s1 =	ssub.s32 @!p0 $0x0, s1;
	[sflag:s0] =	ssyncset.done @!p0 $0x0  }
0x67: {  	[sflag:s0] =	ssyncadd.s32 @!p0 s1  }
0x68: {  	[bflag:$0x3] =	sbarrier.arrive $0xFFFF  }
0x69: {  	_ =	shalt  }

</sc_bundles>
